<compile_context>
chip_gen: v7x
topology: tpu7x:2x2x1
jax: 0.10.2.dev20260603
libtpu: 0.0.44.dev20260713+nightly
codegen_flags: <defaults>
</compile_context>

<pallas_src>
import jax
import jax.numpy as jnp
from jax import lax
from jax.experimental import pallas as pl
from jax.experimental.pallas import tpu as pltpu
from jax.experimental.pallas import tpu_sc as plsc

STATE = 16384
NCONN = 8192
PDIM = 8192
KBLK = 256

NWORK = 32
LANES = 16
CHUNK = STATE // NWORK


def _mv_body(m_ref, w_ref, o_ref):
    k = pl.program_id(0)

    @pl.when(k == 0)
    def _():
        o_ref[...] = jnp.zeros_like(o_ref)

    m_blk = m_ref[:, pl.ds(k * KBLK, KBLK)]
    o_ref[...] += jax.lax.dot_general(
        m_blk, w_ref[...], (((1,), (0,)), ((), ())),
        preferred_element_type=jnp.float32)


def _matvec_tc(mesa, w):
    out = pl.pallas_call(
        _mv_body,
        grid=(NCONN // KBLK,),
        in_specs=[
            pl.BlockSpec((1, NCONN), lambda k: (0, 0)),
            pl.BlockSpec((KBLK, PDIM), lambda k: (k, 0)),
        ],
        out_specs=pl.BlockSpec((1, PDIM), lambda k: (0, 0)),
        out_shape=jax.ShapeDtypeStruct((1, PDIM), jnp.float32),
    )(mesa.reshape(1, NCONN), w)
    return out.reshape(PDIM)


def _sc_body(vals_hbm, idx_hbm, bias_hbm, out_hbm, idx_v, vals_v, buf_v, sem):
    cid = lax.axis_index("c")
    sid = lax.axis_index("s")
    wid = sid * 2 + cid
    base = wid * CHUNK
    c1 = pltpu.async_copy(bias_hbm.at[pl.ds(base, CHUNK)], buf_v, sem)
    c2 = pltpu.async_copy(idx_hbm, idx_v, sem)
    c3 = pltpu.async_copy(vals_hbm, vals_v, sem)
    c2.wait()

    ar16 = jnp.arange(LANES, dtype=jnp.int32)
    probe0 = ar16 * (NCONN // LANES)
    v0 = plsc.load_gather(idx_v, [probe0])
    c0 = plsc.all_reduce_population_count(v0 < base)
    b0 = jnp.maximum(c0 - 1, 0) * (NCONN // LANES)
    probe1 = b0 + ar16 * (NCONN // LANES // LANES)
    v1 = plsc.load_gather(idx_v, [probe1])
    c1v = plsc.all_reduce_population_count(v1 < base)
    start_v = b0 + jnp.maximum(c1v - 1, 0) * (NCONN // LANES // LANES)
    NSCAN = CHUNK // LANES + 4
    smax = jnp.max(start_v)
    s0 = smax - lax.rem(smax, LANES)
    s0 = jnp.minimum(s0, NCONN - NSCAN * LANES)
    c1.wait()
    c3.wait()

    def body(i, carry):
        for u in range(4):
            off = s0 + (i * 4 + u) * LANES
            vi = idx_v[pl.ds(off, LANES)]
            vv = vals_v[pl.ds(off, LANES)]
            rel = vi - base
            m = (rel >= 0) & (rel < CHUNK)
            plsc.addupdate_scatter(buf_v, [rel], vv, mask=m)
        return carry

    lax.fori_loop(0, NSCAN // 4, body, 0)
    pltpu.sync_copy(buf_v, out_hbm.at[pl.ds(base, CHUNK)])


def _sc_scatter(vals, conn_idx, bias):
    run = pl.kernel(
        _sc_body,
        out_type=jax.ShapeDtypeStruct((STATE,), jnp.float32),
        mesh=plsc.VectorSubcoreMesh(core_axis_name="c", subcore_axis_name="s"),
        scratch_types=[
            pltpu.VMEM((NCONN,), jnp.int32),
            pltpu.VMEM((NCONN,), jnp.float32),
            pltpu.VMEM((CHUNK,), jnp.float32),
            pltpu.SemaphoreType.DMA,
        ],
        compiler_params=pltpu.CompilerParams(needs_layout_passes=False),
    )
    return run(vals, conn_idx, bias)


def kernel(mesa_parameter, meta_weight, meta_bias, conn_idx):
    vals = _matvec_tc(mesa_parameter, meta_weight)
    return _sc_scatter(vals, conn_idx, meta_bias)

# --- scband reference (transcript-rebuilt; emitter-appended) ---
"""Pipeline reference for scband-meta-module-21500606284434 (READ-ONLY COPY).

The authoritative reference and input builder live on the scoring server;
editing this copy changes nothing except your own understanding.
"""

import jax, jax.numpy as jnp
import numpy as np

STATE_SIZE = 16384
N_CONN = 8192
P = 8192

def setup_inputs(seed: int = 0) -> dict:
    key = jax.random.key(seed)
    k1, k2 = jax.random.split(key)
    mesa_parameter = jax.random.normal(k1, (N_CONN,), dtype=jnp.float32)
    # torch init: rand * 2 * INIT_RANGE - INIT_RANGE with INIT_RANGE=1 -> uniform in [-1, 1)
    meta_weight = jax.random.uniform(k2, (N_CONN, P), dtype=jnp.float32) * 2.0 - 1.0
    meta_bias = jnp.zeros((STATE_SIZE,), dtype=jnp.float32)
    # boolean connections mask: first N_CONN entries of the state vector are connected.
    # masked assignment in torch writes values in ascending index order of True positions,
    # which is exactly a scatter into these indices.
    conn_idx = jnp.arange(N_CONN, dtype=jnp.int32)
    return {"mesa_parameter": mesa_parameter, "meta_weight": meta_weight, "meta_bias": meta_bias, "conn_idx": conn_idx}

def reference(mesa_parameter, meta_weight, meta_bias, conn_idx):
    # base_state_diff = zeros(state_size); base_state_diff[connections.bool()] = mesa_parameter @ meta_weight
    vals = jnp.matmul(mesa_parameter, meta_weight)
    base_state_diff = jnp.zeros((STATE_SIZE,), dtype=vals.dtype).at[conn_idx].set(vals)
    # meta_bias exists (meta_bias=True)
    base_state_diff = base_state_diff + meta_bias
    # dropout with p=0 is identity in eval/train
    return base_state_diff

if __name__ == "__main__":
    import jax
    _d = setup_inputs()
    print(jax.jit(kernel)(*tuple(_d.values())))

</pallas_src>

<mosaic_0001>
#map = affine_map<(d0, d1) -> (0)>
module attributes {stable_mosaic.version = 14 : i64} {
  func.func @_sc_body(%arg0: i32, %arg1: i32, %arg2: memref<8192xf32, #tpu.memory_space<hbm>>, %arg3: memref<8192xi32, #tpu.memory_space<hbm>>, %arg4: memref<16384xf32, #tpu.memory_space<hbm>>, %arg5: memref<16384xf32, #tpu.memory_space<hbm>>, %arg6: memref<8192xi32, #tpu.memory_space<vmem>>, %arg7: memref<8192xf32, #tpu.memory_space<vmem>>, %arg8: memref<512xf32, #tpu.memory_space<vmem>>, %arg9: memref<!tpu.dma_semaphore, #tpu.memory_space<semaphore_mem>>) attributes {dimension_semantics = [#tpu.dimension_semantics<core_parallel>, #tpu.dimension_semantics<subcore_parallel>], iteration_bounds = array<i64: 2, 16>, scalar_prefetch = 0 : i64, scratch_operands = 4 : i64, tpu.core_type = #tpu.core_type<sc_vector_subcore>, window_params = [{transform_indices = #map}, {transform_indices = #map}, {transform_indices = #map}, {transform_indices = #map}]} {
    %mul3A = arith.constant 2 : i32
    %mul3A_0 = arith.muli %arg1, %mul3A : i32
    %add3A = arith.addi %mul3A_0, %arg0 : i32
    %mul3A_1 = arith.constant 512 : i32
    %mul3A_2 = arith.muli %add3A, %mul3A_1 : i32
    %dma_start3A = tpu.memref_slice %arg4[%mul3A_2] : memref<16384xf32, #tpu.memory_space<hbm>> -> memref<512xf32, #tpu.memory_space<hbm>>
    %dma_start3A_3 = tpu.memref_slice %arg4[%mul3A_2] : memref<16384xf32, #tpu.memory_space<hbm>> -> memref<512xf32, #tpu.memory_space<hbm>>
    tpu.enqueue_dma source(%dma_start3A_3 : memref<512xf32, #tpu.memory_space<hbm>>) target(%arg8 : memref<512xf32, #tpu.memory_space<vmem>>) target_semaphore(%arg9 : memref<!tpu.dma_semaphore, #tpu.memory_space<semaphore_mem>>)
    tpu.enqueue_dma source(%arg3 : memref<8192xi32, #tpu.memory_space<hbm>>) target(%arg6 : memref<8192xi32, #tpu.memory_space<vmem>>) target_semaphore(%arg9 : memref<!tpu.dma_semaphore, #tpu.memory_space<semaphore_mem>>)
    tpu.enqueue_dma source(%arg2 : memref<8192xf32, #tpu.memory_space<hbm>>) target(%arg7 : memref<8192xf32, #tpu.memory_space<vmem>>) target_semaphore(%arg9 : memref<!tpu.dma_semaphore, #tpu.memory_space<semaphore_mem>>)
    tpu.wait_dma2 semaphore(%arg9 : memref<!tpu.dma_semaphore, #tpu.memory_space<semaphore_mem>>) src(%arg3 : memref<8192xi32, #tpu.memory_space<hbm>>) dst(%arg6 : memref<8192xi32, #tpu.memory_space<vmem>>)
    %iota3A = tpu.iota {dimensions = array<i32: 0>} : vector<16xi32>
    %mul3A_4 = arith.constant 512 : i32
    %mul3A_5 = vector.broadcast %mul3A_4 : i32 to vector<16xi32>
    %mul3A_6 = arith.muli %iota3A, %mul3A_5 : vector<16xi32>
    %gather3A = tpu.vector_load_idx %arg6[%mul3A_6] : memref<8192xi32, #tpu.memory_space<vmem>>[vector<16xi32>], vector<16xi32>,
    %lt3A = vector.broadcast %mul3A_2 : i32 to vector<16xi32>
    %lt3A_7 = arith.cmpi slt, %gather3A, %lt3A : vector<16xi32>
    %all_reduce_population_count3A = tpu.all_reduce %lt3A_7 {dim = 0 : i64, kind = #tpu.reduction_kind<sum>} : vector<16xi1> -> vector<16xi32>
    %sub3A = arith.constant 1 : i32
    %sub3A_8 = vector.broadcast %sub3A : i32 to vector<16xi32>
    %sub3A_9 = arith.subi %all_reduce_population_count3A, %sub3A_8 : vector<16xi32>
    %max3A = arith.constant 0 : i32
    %max3A_10 = vector.broadcast %max3A : i32 to vector<16xi32>
    %max3A_11 = arith.maxsi %sub3A_9, %max3A_10 : vector<16xi32>
    %mul3A_12 = arith.constant 512 : i32
    %mul3A_13 = vector.broadcast %mul3A_12 : i32 to vector<16xi32>
    %mul3A_14 = arith.muli %max3A_11, %mul3A_13 : vector<16xi32>
    %mul3A_15 = arith.constant 32 : i32
    %mul3A_16 = vector.broadcast %mul3A_15 : i32 to vector<16xi32>
    %mul3A_17 = arith.muli %iota3A, %mul3A_16 : vector<16xi32>
    %add3A_18 = arith.addi %mul3A_14, %mul3A_17 : vector<16xi32>
    %gather3A_19 = tpu.vector_load_idx %arg6[%add3A_18] : memref<8192xi32, #tpu.memory_space<vmem>>[vector<16xi32>], vector<16xi32>,
    %lt3A_20 = vector.broadcast %mul3A_2 : i32 to vector<16xi32>
    %lt3A_21 = arith.cmpi slt, %gather3A_19, %lt3A_20 : vector<16xi32>
    %all_reduce_population_count3A_22 = tpu.all_reduce %lt3A_21 {dim = 0 : i64, kind = #tpu.reduction_kind<sum>} : vector<16xi1> -> vector<16xi32>
    %sub3A_23 = arith.constant 1 : i32
    %sub3A_24 = vector.broadcast %sub3A_23 : i32 to vector<16xi32>
    %sub3A_25 = arith.subi %all_reduce_population_count3A_22, %sub3A_24 : vector<16xi32>
    %max3A_26 = arith.constant 0 : i32
    %max3A_27 = vector.broadcast %max3A_26 : i32 to vector<16xi32>
    %max3A_28 = arith.maxsi %sub3A_25, %max3A_27 : vector<16xi32>
    %mul3A_29 = arith.constant 32 : i32
    %mul3A_30 = vector.broadcast %mul3A_29 : i32 to vector<16xi32>
    %mul3A_31 = arith.muli %max3A_28, %mul3A_30 : vector<16xi32>
    %add3A_32 = arith.addi %mul3A_14, %mul3A_31 : vector<16xi32>
    %reduce_max3A = arith.constant true
    %reduce_max3A_33 = vector.broadcast %reduce_max3A : i1 to vector<16xi1>
    %reduce_max3A_34 = arith.constant -2147483648 : i32
    %reduce_max3A_35 = vector.broadcast %reduce_max3A_34 : i32 to vector<16xi32>
    %reduce_max3A_36 = arith.xori %add3A_32, %reduce_max3A_35 : vector<16xi32>
    %reduce_max3A_37 = tpu.scan <max>, %reduce_max3A_36 masked %reduce_max3A_33 : vector<16xi32>, vector<16xi1> -> vector<16xi32>
    %reduce_max3A_38 = arith.xori %reduce_max3A_37, %reduce_max3A_35 : vector<16xi32>
    %reduce_max3A_39 = vector.extract %reduce_max3A_38[15] : i32 from vector<16xi32>
    %rem3A = arith.constant 16 : i32
    %rem3A_40 = arith.remsi %reduce_max3A_39, %rem3A : i32
    %sub3A_41 = arith.subi %reduce_max3A_39, %rem3A_40 : i32
    %min3A = arith.constant 7616 : i32
    %min3A_42 = arith.minsi %sub3A_41, %min3A : i32
    %dma_wait3A = tpu.memref_slice %arg4[%mul3A_2] : memref<16384xf32, #tpu.memory_space<hbm>> -> memref<512xf32, #tpu.memory_space<hbm>>
    %dma_wait3A_43 = tpu.memref_slice %arg4[%mul3A_2] : memref<16384xf32, #tpu.memory_space<hbm>> -> memref<512xf32, #tpu.memory_space<hbm>>
    tpu.wait_dma2 semaphore(%arg9 : memref<!tpu.dma_semaphore, #tpu.memory_space<semaphore_mem>>) src(%dma_wait3A_43 : memref<512xf32, #tpu.memory_space<hbm>>) dst(%arg8 : memref<512xf32, #tpu.memory_space<vmem>>)
    tpu.wait_dma2 semaphore(%arg9 : memref<!tpu.dma_semaphore, #tpu.memory_space<semaphore_mem>>) src(%arg2 : memref<8192xf32, #tpu.memory_space<hbm>>) dst(%arg7 : memref<8192xf32, #tpu.memory_space<vmem>>)
    %scan3A = arith.constant 0 : i32
    %scan3A_44 = arith.constant 0 : i32
    %scan3A_45 = arith.constant 9 : i32
    %scan3A_46 = arith.addi %scan3A_44, %scan3A_45 : i32
    %scan3A_47 = arith.constant 1 : i32
    scf.for %scan3A_49 = %scan3A_44 to %scan3A_46 step %scan3A_47  : i32 {
      %mul3A_50 = arith.constant 4 : i32
      %mul3A_51 = arith.muli %scan3A_49, %mul3A_50 : i32
      %add3A_52 = arith.constant 0 : i32
      %add3A_53 = arith.addi %mul3A_51, %add3A_52 : i32
      %mul3A_54 = arith.constant 16 : i32
      %mul3A_55 = arith.muli %add3A_53, %mul3A_54 : i32
      %add3A_56 = arith.addi %min3A_42, %mul3A_55 : i32
      %get3A = arith.index_cast %add3A_56 : i32 to index
      %get3A_57 = tpu.vector_load %arg6[%get3A] {strides = array<i32>} : memref<8192xi32, #tpu.memory_space<vmem>>, vector<16xi32>,
      %get3A_58 = arith.index_cast %add3A_56 : i32 to index
      %get3A_59 = tpu.vector_load %arg7[%get3A_58] {strides = array<i32>} : memref<8192xf32, #tpu.memory_space<vmem>>, vector<16xf32>,
      %sub3A_60 = vector.broadcast %mul3A_2 : i32 to vector<16xi32>
      %sub3A_61 = arith.subi %get3A_57, %sub3A_60 : vector<16xi32>
      %ge3A = arith.constant 0 : i32
      %ge3A_62 = vector.broadcast %ge3A : i32 to vector<16xi32>
      %ge3A_63 = arith.cmpi sge, %sub3A_61, %ge3A_62 : vector<16xi32>
      %lt3A_64 = arith.constant 512 : i32
      %lt3A_65 = vector.broadcast %lt3A_64 : i32 to vector<16xi32>
      %lt3A_66 = arith.cmpi slt, %sub3A_61, %lt3A_65 : vector<16xi32>
      %and3A = arith.andi %ge3A_63, %lt3A_66 : vector<16xi1>
      tpu.vector_store_idx %arg8[%sub3A_61], %get3A_59 masked %and3A {add = true} : memref<512xf32, #tpu.memory_space<vmem>>[vector<16xi32>], vector<16xf32>, vector<16xi1>
      %mul3A_67 = arith.constant 4 : i32
      %mul3A_68 = arith.muli %scan3A_49, %mul3A_67 : i32
      %add3A_69 = arith.constant 1 : i32
      %add3A_70 = arith.addi %mul3A_68, %add3A_69 : i32
      %mul3A_71 = arith.constant 16 : i32
      %mul3A_72 = arith.muli %add3A_70, %mul3A_71 : i32
      %add3A_73 = arith.addi %min3A_42, %mul3A_72 : i32
      %get3A_74 = arith.index_cast %add3A_73 : i32 to index
      %get3A_75 = tpu.vector_load %arg6[%get3A_74] {strides = array<i32>} : memref<8192xi32, #tpu.memory_space<vmem>>, vector<16xi32>,
      %get3A_76 = arith.index_cast %add3A_73 : i32 to index
      %get3A_77 = tpu.vector_load %arg7[%get3A_76] {strides = array<i32>} : memref<8192xf32, #tpu.memory_space<vmem>>, vector<16xf32>,
      %sub3A_78 = vector.broadcast %mul3A_2 : i32 to vector<16xi32>
      %sub3A_79 = arith.subi %get3A_75, %sub3A_78 : vector<16xi32>
      %ge3A_80 = arith.constant 0 : i32
      %ge3A_81 = vector.broadcast %ge3A_80 : i32 to vector<16xi32>
      %ge3A_82 = arith.cmpi sge, %sub3A_79, %ge3A_81 : vector<16xi32>
      %lt3A_83 = arith.constant 512 : i32
      %lt3A_84 = vector.broadcast %lt3A_83 : i32 to vector<16xi32>
      %lt3A_85 = arith.cmpi slt, %sub3A_79, %lt3A_84 : vector<16xi32>
      %and3A_86 = arith.andi %ge3A_82, %lt3A_85 : vector<16xi1>
      tpu.vector_store_idx %arg8[%sub3A_79], %get3A_77 masked %and3A_86 {add = true} : memref<512xf32, #tpu.memory_space<vmem>>[vector<16xi32>], vector<16xf32>, vector<16xi1>
      %mul3A_87 = arith.constant 4 : i32
      %mul3A_88 = arith.muli %scan3A_49, %mul3A_87 : i32
      %add3A_89 = arith.constant 2 : i32
      %add3A_90 = arith.addi %mul3A_88, %add3A_89 : i32
      %mul3A_91 = arith.constant 16 : i32
      %mul3A_92 = arith.muli %add3A_90, %mul3A_91 : i32
      %add3A_93 = arith.addi %min3A_42, %mul3A_92 : i32
      %get3A_94 = arith.index_cast %add3A_93 : i32 to index
      %get3A_95 = tpu.vector_load %arg6[%get3A_94] {strides = array<i32>} : memref<8192xi32, #tpu.memory_space<vmem>>, vector<16xi32>,
      %get3A_96 = arith.index_cast %add3A_93 : i32 to index
      %get3A_97 = tpu.vector_load %arg7[%get3A_96] {strides = array<i32>} : memref<8192xf32, #tpu.memory_space<vmem>>, vector<16xf32>,
      %sub3A_98 = vector.broadcast %mul3A_2 : i32 to vector<16xi32>
      %sub3A_99 = arith.subi %get3A_95, %sub3A_98 : vector<16xi32>
      %ge3A_100 = arith.constant 0 : i32
      %ge3A_101 = vector.broadcast %ge3A_100 : i32 to vector<16xi32>
      %ge3A_102 = arith.cmpi sge, %sub3A_99, %ge3A_101 : vector<16xi32>
      %lt3A_103 = arith.constant 512 : i32
      %lt3A_104 = vector.broadcast %lt3A_103 : i32 to vector<16xi32>
      %lt3A_105 = arith.cmpi slt, %sub3A_99, %lt3A_104 : vector<16xi32>
      %and3A_106 = arith.andi %ge3A_102, %lt3A_105 : vector<16xi1>
      tpu.vector_store_idx %arg8[%sub3A_99], %get3A_97 masked %and3A_106 {add = true} : memref<512xf32, #tpu.memory_space<vmem>>[vector<16xi32>], vector<16xf32>, vector<16xi1>
      %mul3A_107 = arith.constant 4 : i32
      %mul3A_108 = arith.muli %scan3A_49, %mul3A_107 : i32
      %add3A_109 = arith.constant 3 : i32
      %add3A_110 = arith.addi %mul3A_108, %add3A_109 : i32
      %mul3A_111 = arith.constant 16 : i32
      %mul3A_112 = arith.muli %add3A_110, %mul3A_111 : i32
      %add3A_113 = arith.addi %min3A_42, %mul3A_112 : i32
      %get3A_114 = arith.index_cast %add3A_113 : i32 to index
      %get3A_115 = tpu.vector_load %arg6[%get3A_114] {strides = array<i32>} : memref<8192xi32, #tpu.memory_space<vmem>>, vector<16xi32>,
      %get3A_116 = arith.index_cast %add3A_113 : i32 to index
      %get3A_117 = tpu.vector_load %arg7[%get3A_116] {strides = array<i32>} : memref<8192xf32, #tpu.memory_space<vmem>>, vector<16xf32>,
      %sub3A_118 = vector.broadcast %mul3A_2 : i32 to vector<16xi32>
      %sub3A_119 = arith.subi %get3A_115, %sub3A_118 : vector<16xi32>
      %ge3A_120 = arith.constant 0 : i32
      %ge3A_121 = vector.broadcast %ge3A_120 : i32 to vector<16xi32>
      %ge3A_122 = arith.cmpi sge, %sub3A_119, %ge3A_121 : vector<16xi32>
      %lt3A_123 = arith.constant 512 : i32
      %lt3A_124 = vector.broadcast %lt3A_123 : i32 to vector<16xi32>
      %lt3A_125 = arith.cmpi slt, %sub3A_119, %lt3A_124 : vector<16xi32>
      %and3A_126 = arith.andi %ge3A_122, %lt3A_125 : vector<16xi1>
      tpu.vector_store_idx %arg8[%sub3A_119], %get3A_117 masked %and3A_126 {add = true} : memref<512xf32, #tpu.memory_space<vmem>>[vector<16xi32>], vector<16xf32>, vector<16xi1>
    }
    %scan3A_48 = arith.constant 9 : i32
    "tpu.region"() ({
      %run_scoped3A = tpu.sem_alloc : memref<!tpu.dma_semaphore, #tpu.memory_space<semaphore_mem>>
      %dma_start3A_49 = tpu.memref_slice %arg5[%mul3A_2] : memref<16384xf32, #tpu.memory_space<hbm>> -> memref<512xf32, #tpu.memory_space<hbm>>
      %dma_start3A_50 = tpu.memref_slice %arg5[%mul3A_2] : memref<16384xf32, #tpu.memory_space<hbm>> -> memref<512xf32, #tpu.memory_space<hbm>>
      tpu.enqueue_dma source(%arg8 : memref<512xf32, #tpu.memory_space<vmem>>) target(%dma_start3A_50 : memref<512xf32, #tpu.memory_space<hbm>>) target_semaphore(%run_scoped3A : memref<!tpu.dma_semaphore, #tpu.memory_space<semaphore_mem>>)
      %dma_wait3A_51 = tpu.memref_slice %arg5[%mul3A_2] : memref<16384xf32, #tpu.memory_space<hbm>> -> memref<512xf32, #tpu.memory_space<hbm>>
      %dma_wait3A_52 = tpu.memref_slice %arg5[%mul3A_2] : memref<16384xf32, #tpu.memory_space<hbm>> -> memref<512xf32, #tpu.memory_space<hbm>>
      tpu.wait_dma2 semaphore(%run_scoped3A : memref<!tpu.dma_semaphore, #tpu.memory_space<semaphore_mem>>) src(%arg8 : memref<512xf32, #tpu.memory_space<vmem>>) dst(%dma_wait3A_52 : memref<512xf32, #tpu.memory_space<hbm>>)
      tpu.yield
    }) : () -> ()
    return
  }
}

module attributes {stable_mosaic.version = 14 : i64} {
  func.func @_mv_body(%arg0: i32, %arg1: memref<1x8192xf32, #tpu.memory_space<vmem>>, %arg2: memref<256x8192xf32, #tpu.memory_space<vmem>>, %arg3: memref<1x8192xf32, #tpu.memory_space<vmem>>) attributes {dimension_semantics = [#tpu.dimension_semantics<arbitrary>], iteration_bounds = array<i64: 32>, scalar_prefetch = 0 : i64, scratch_operands = 0 : i64, tpu.core_type = #tpu.core_type<tc>, window_params = [{pipeline_mode = #tpu.pipeline_mode<synchronous>, transform_indices = @transform_0, window_bounds = array<i64: 1, 8192>}, {transform_indices = @transform_1, window_bounds = array<i64: 256, 8192>}, {pipeline_mode = #tpu.pipeline_mode<synchronous>, transform_indices = @transform_2, window_bounds = array<i64: 1, 8192>}]} {
    %eq3A = arith.constant 0 : i32
    %eq3A_0 = arith.cmpi eq, %arg0, %eq3A : i32
    %convert_element_type3A = arith.extui %eq3A_0 : i1 to i32
    %cond3A = arith.constant 0 : i32
    %cond3A_1 = arith.cmpi ne, %convert_element_type3A, %cond3A : i32
    scf.if %cond3A_1 {
      %broadcast_in_dim3A = arith.constant 0.000000e+00 : f32
      %broadcast_in_dim3A_14 = vector.broadcast %broadcast_in_dim3A : f32 to vector<1x8192xf32>
      %swap3A_15 = arith.constant 0 : index
      %swap3A_16 = arith.constant 0 : index
      %swap3A_17 = vector.load %arg3[%swap3A_15, %swap3A_16] : memref<1x8192xf32, #tpu.memory_space<vmem>>, vector<1x8192xf32>
      tpu.vector_store %arg3[%swap3A_15, %swap3A_16], %broadcast_in_dim3A_14 {strides = array<i32>} : memref<1x8192xf32, #tpu.memory_space<vmem>>, vector<1x8192xf32>,
    } else {
    }
    %mul3A = arith.constant 256 : i32
    %mul3A_2 = arith.muli %arg0, %mul3A : i32
    %get3A = arith.constant 0 : index
    %get3A_3 = arith.index_cast %mul3A_2 : i32 to index
    %get3A_4 = vector.load %arg1[%get3A, %get3A_3] : memref<1x8192xf32, #tpu.memory_space<vmem>>, vector<1x256xf32>
    %get3A_5 = arith.constant 0 : index
    %get3A_6 = arith.constant 0 : index
    %get3A_7 = vector.load %arg3[%get3A_5, %get3A_6] : memref<1x8192xf32, #tpu.memory_space<vmem>>, vector<1x8192xf32>
    %get3A_8 = arith.constant 0 : index
    %get3A_9 = arith.constant 0 : index
    %get3A_10 = vector.load %arg2[%get3A_8, %get3A_9] : memref<256x8192xf32, #tpu.memory_space<vmem>>, vector<256x8192xf32>
    %dot_general3A = arith.constant dense<0.000000e+00> : vector<1x8192xf32>
    %dot_general3A_11 = tpu.matmul %get3A_4, %get3A_10, %dot_general3A {dimension_numbers = #tpu.dot_dimension_numbers<[1], [0], [0], [1], [0, 0, 1, 1], [], []>, transpose_lhs_hint = false} : vector<1x256xf32>, vector<256x8192xf32>, vector<1x8192xf32> -> vector<1x8192xf32>
    %add3A = arith.addf %get3A_7, %dot_general3A_11 : vector<1x8192xf32>
    %swap3A = arith.constant 0 : index
    %swap3A_12 = arith.constant 0 : index
    %swap3A_13 = vector.load %arg3[%swap3A, %swap3A_12] : memref<1x8192xf32, #tpu.memory_space<vmem>>, vector<1x8192xf32>
    tpu.vector_store %arg3[%swap3A, %swap3A_12], %add3A {strides = array<i32>} : memref<1x8192xf32, #tpu.memory_space<vmem>>, vector<1x8192xf32>,
    return
  }
  func.func @transform_0(%arg0: i32) -> (i32, i32) {
    %c0_i32 = arith.constant 0 : i32
    %c0_i32_0 = arith.constant 0 : i32
    %c0_i32_1 = arith.constant 0 : i32
    return %c0_i32, %c0_i32_0 : i32, i32
  }
  func.func @transform_1(%arg0: i32) -> (i32, i32) {
    %c0_i32 = arith.constant 0 : i32
    %c0_i32_0 = arith.constant 0 : i32
    return %arg0, %c0_i32 : i32, i32
  }
  func.func @transform_2(%arg0: i32) -> (i32, i32) {
    %c0_i32 = arith.constant 0 : i32
    %c0_i32_0 = arith.constant 0 : i32
    %c0_i32_1 = arith.constant 0 : i32
    return %c0_i32, %c0_i32_0 : i32, i32
  }
}

</mosaic_0001>

<sc_bundles>
// kernel: kernel.4.cloned.1.call-start
scs
__scs_entry_jumppad:
0x0: {  	(pc) =	sbr.rel $0x88, $3  }
0x1: {  	(tag) =	ssettag $0x0;
	lr =	simm.s32 $0x1  }
0x2: {  	[smem:$0x3F9D] =	sst lr;
	_ =	strace $0xD0000000  }
0x3: {  	_ = 	snop  }
0x4: {  	_ = 	snop  }
0x5: {  	_ = 	snop  }
0x6: {  	_ = 	snop  }
0x7: {  	_ = 	snop  }
__scs_overlays_trampoline_lowered:
0x8: {  	[smem:$0x3FAC] =	sst s0  }
0x9: {  	[smem:$0x3FAD] =	sst s1  }
0xa: {  	[smem:$0x3FAE] =	sst s2  }
0xb: {  	[smem:$0x3FAF] =	sst s3  }
0xc: {  	[smem:$0x3FB0] =	sst s4  }
0xd: {  	[smem:$0x3FB1] =	sst s5  }
0xe: {  	[smem:$0x3FB2] =	sst s6  }
0xf: {  	[smem:$0x3FB3] =	sst s7  }
0x10: {  	[smem:$0x3FB4] =	sst s8  }
0x11: {  	[smem:$0x3FB5] =	sst s9;
	s0 =	simm.s32 @!p0 $0x0  }
0x12: {  	s1 =	sld [smem:$0x3F9B];
	s0 =	simm.s32 @p0 $0x1  }
0x13: {  	[smem:$0x3FB6] =	sst s0;
	s0 =	simm.s32 @!p1 $0x0  }
0x14: {  	s2 =	sld [smem:$0x3F9A];
	s0 =	simm.s32 @p1 $0x1  }
0x15: {  	[smem:$0x3FB7] =	sst s0;
	s0 =	simm.s32 @!p2 $0x0  }
0x16: {  	s3 =	sld [smem:$0x3FDB];
	s0 =	simm.s32 @p2 $0x1  }
0x17: {  	s4 =	simm.s32 $0x1BF5;
	[smem:$0x3FB9] =	sst s0  }
0x18: {  	s0 =	sld [smem:$0x3F9C];
	_ =	swait.ge [sflag:s4], $0x0  }
0x19: {  	s7 =	sld [smem:$0x3F9D]  }
0x1a: {  	s8 =	sadd.s32 $0xFFFFE003, lr  }
0x1b: {  	s9 =	sadd.s32 $0xFFFFFEF7, lr;
	s5 =	simm.s32 $0xFFFFFFFF;
	p2 =	slt.u32 s8, $0xFFFFF086  }
0x1c: {  	p1 =	slt.u32 s9, $0xF7A;
	s5 =	simm.s32 @!p2 $0x0  }
0x1d: {  	s5 =	simm.s32 @p1 $0x1;
	p0 =	seq.s32 s7, s2  }
0x1e: {  	s7 =	smul.u32 @!p0 $0xF7A, s2;
	p2 =	seq.s32 @!p0 s5, $0x0  }
0x1f: {  	s9 =	smul.u32 $0xF7A, s1;
	s8 =	simm.s32 @!p0 $0x1BF5;
	p2 =	por !p2, p0  }
0x20: {  	[sflag:s8] =	ssyncset.s32 @!p0 $0xFFFFF086;
	s6 =	sadd.s32 @!p0 s3, s7;
	s7 =	simm.s32 @!p0 $0x108  }
0x21: {  	s3 =	sadd.s32 s3, s9;
	s6 =	sadd.s32 @!p0 $0x88, s6;
	s7 =	simm.s32 @p2 $0x1082  }
0x22: {  	[simem:s7], [sflag:s8] =	dma.local @!p0 [hbm:s6], $0xF7A  }
0x23: {  	s9 =	sor.u32 $0xD0000000, s2;
	s6 =	simm.s32 $0x108;
	_ =	swait.ge @!p0 [sflag:s8], $0x0  }
0x24: {  	s3 =	sadd.s32 $0x88, s3;
	s6 =	simm.s32 @!p1 $0x1082;
	[sflag:s4] =	ssyncset.s32 $0xFFFFF086  }
0x25: {  	[simem:s6], [sflag:s4] =	dma.local [hbm:s3], $0xF7A  }
0x26: {  	[smem:$0x3F9D] =	sst s1;
	(tag) =	ssettag s2;
	_ =	strace s9  }
0x27: {  	s1 =	sld [smem:$0x3FAD]  }
0x28: {  	s2 =	sld [smem:$0x3FAE]  }
0x29: {  	s4 =	sld [smem:$0x3FB0]  }
0x2a: {  	p0 =	seq.s32 s5, $0x0;
	s5 =	sld [smem:$0x3FB1]  }
0x2b: {  	s6 =	sld [smem:$0x3FB2]  }
0x2c: {  	s7 =	sld [smem:$0x3FB3]  }
0x2d: {  	s3 =	simm.s32 $0x108;
	s8 =	sld [smem:$0x3FB4]  }
0x2e: {  	s3 =	simm.s32 @!p0 $0x1082;
	s9 =	sld [smem:$0x3FB5]  }
0x2f: {  	lr =	sadd.s32 s0, s3;
	s0 =	sld [smem:$0x3FAC]  }
0x30: {  	s3 =	sld [smem:$0x3FAF]  }
0x31: {  	[smem:$0x3FB8] =	sst s10  }
0x32: {  	s10 =	sld [smem:$0x3FB6];
	_ =	sdelay $0x3  }
0x33: {  	p0 =	seq.s32 s10, $0x1;
	s10 =	sld [smem:$0x3FB8];
	_ =	sdelay $0x3  }
0x34: {  	[smem:$0x3FB8] =	sst s10  }
0x35: {  	s10 =	sld [smem:$0x3FB7];
	_ =	sdelay $0x3  }
0x36: {  	p1 =	seq.s32 s10, $0x1;
	s10 =	sld [smem:$0x3FB8];
	_ =	sdelay $0x3  }
0x37: {  	[smem:$0x3FB8] =	sst s10  }
0x38: {  	s10 =	sld [smem:$0x3FB9]  }
0x39: {  	_ = 	snop;
	(pc) =	sbr.ind lr, $3  }
0x3a: {  	_ = 	snop  }
0x3b: {  	_ = 	snop  }
0x3c: {  	p2 =	seq.s32 s10, $0x1;
	s10 =	sld [smem:$0x3FB8]  }
0x3d: {  	_ =	shalt  }
0x3e: {  	_ =	shalt  }
0x3f: {  	_ =	shalt  }
0x40: {  	_ =	shalt  }
0x41: {  	_ =	shalt  }
0x42: {  	_ =	shalt  }
0x43: {  	_ =	shalt  }
0x44: {  	_ =	shalt  }
0x45: {  	_ =	shalt  }
0x46: {  	_ =	shalt  }
0x47: {  	_ =	shalt  }
0x48: {  	_ =	shalt  }
0x49: {  	_ =	shalt  }
0x4a: {  	_ =	shalt  }
0x4b: {  	_ =	shalt  }
0x4c: {  	_ =	shalt  }
0x4d: {  	_ =	shalt  }
0x4e: {  	_ =	shalt  }
0x4f: {  	_ =	shalt  }
0x50: {  	_ =	shalt  }
0x51: {  	_ =	shalt  }
0x52: {  	_ =	shalt  }
0x53: {  	_ =	shalt  }
0x54: {  	_ =	shalt  }
0x55: {  	_ =	shalt  }
0x56: {  	_ =	shalt  }
0x57: {  	_ =	shalt  }
0x58: {  	_ =	shalt  }
0x59: {  	_ =	shalt  }
0x5a: {  	_ =	shalt  }
0x5b: {  	_ =	shalt  }
0x5c: {  	_ =	shalt  }
0x5d: {  	_ =	shalt  }
0x5e: {  	_ =	shalt  }
0x5f: {  	_ =	shalt  }
0x60: {  	_ =	shalt  }
0x61: {  	_ =	shalt  }
0x62: {  	_ =	shalt  }
0x63: {  	_ =	shalt  }
0x64: {  	_ =	shalt  }
0x65: {  	_ =	shalt  }
0x66: {  	_ =	shalt  }
0x67: {  	_ =	shalt  }
0x68: {  	_ =	shalt  }
0x69: {  	_ =	shalt  }
0x6a: {  	_ =	shalt  }
0x6b: {  	_ =	shalt  }
0x6c: {  	_ =	shalt  }
0x6d: {  	_ =	shalt  }
0x6e: {  	_ =	shalt  }
0x6f: {  	_ =	shalt  }
0x70: {  	_ =	shalt  }
0x71: {  	_ =	shalt  }
0x72: {  	_ =	shalt  }
0x73: {  	_ =	shalt  }
0x74: {  	_ =	shalt  }
0x75: {  	_ =	shalt  }
0x76: {  	_ =	shalt  }
0x77: {  	_ =	shalt  }
0x78: {  	_ =	shalt  }
0x79: {  	_ =	shalt  }
0x7a: {  	_ =	shalt  }
0x7b: {  	_ =	shalt  }
0x7c: {  	_ =	shalt  }
0x7d: {  	_ =	shalt  }
0x7e: {  	_ =	shalt  }
0x7f: {  	_ =	shalt  }
0x80: {  	_ =	shalt  }
0x81: {  	_ =	shalt  }
0x82: {  	_ =	shalt  }
0x83: {  	_ =	shalt  }
0x84: {  	_ =	shalt  }
0x85: {  	_ =	shalt  }
0x86: {  	_ =	shalt  }
0x87: {  	_ =	shalt  }
.Lfunc_end0:
.L_simem_size_0:
called_computation_lowered:
.L_overlay_start_0:
0x88: {  	s2 =	sld [smem:$0x3FD9]  }
0x89: {  	s3 =	sld [smem:$0x3FFE];
	_ =	sdelay $0x1  }
0x8a: {  	s1 =	srdreg.scid  }
0x8b: {  	s0 =	sand.u32 $0x1, s1  }
0x8c: {  	s17 =	sshll.u32 s0, $0xA;
	s2 =	sadd.s32 s3, s2  }
0x8d: {  	s2 =	sadd.s32 s2, s17  }
0x8e: {  	[smem:$0x3FC4] =	sst s2  }
0x8f: {  	_ = 	snop  }
0x90: {  	s2 =	sld [smem:$0x3FC7]  }
0x91: {  	s18 =	sld [smem:$0x3FC6]  }
0x92: {  	s4 =	sld [smem:$0x3FD0];
	(tm) =	ssettm $0x1  }
0x93: {  	s5 =	sld [smem:$0x3FFB];
	_ =	sdelay $0x3  }
0x94: {  	_ =	strace s5  }
0x95: {  	s5 =	sld [smem:$0x3FFC];
	_ =	sdelay $0x3  }
0x96: {  	_ =	strace s5  }
0x97: {  	s5 =	sld [smem:$0x3FFD];
	_ =	sdelay $0x3  }
0x98: {  	_ =	strace s5  }
0x99: {  	_ =	strace $0x8FFFFFFF  }
0x9a: {  	s19 =	sld [smem:$0x3FDB];
	_ =	sdelay $0x1  }
0x9b: {  	s6 =	simm.s32 $_scs_section_size  }
0x9c: {  	s7 =	simm.s32 $_size__tile_overlayer_lowered;
	s8 =	simm.s32 $_tile_overlayer_lowered  }
0x9d: {  	s22 =	simm.s32 $0x1BFF;
	s21 =	sshll.u32 s8, $0x1;
	s5 =	sadd.s32 s6, s19  }
0x9e: {  	s9 =	simm.s32 $0x0;
	s20 =	sshll.u32 s7, $0x1;
	s7 =	sadd.s32 s21, s5  }
0x9f: {  	[timem:s9], [sflag:s22] =	dma.local [hbm:s7], s20  }
0xa0: {  	_ =	swait.ge [sflag:s22], s20  }
0xa1: {  	s6 =	ssub.s32 $0x0, s20;
	[sflag:s22] =	ssyncset.done $0x0  }
0xa2: {  	[sflag:s22] =	ssyncadd.s32 s6;
	_ =	sdelay $0x1  }
0xa3: {  	s23 =	simm.s32 $0x1B8B  }
0xa4: {  	_ =	swait.ge [sflag:s23], $0x1  }
0xa5: {  	[sflag:s23] =	ssyncset.done $0x0  }
0xa6: {  	s25 =	simm.s32 $0x1B8E;
	s24 =	sld [smem:$0x3FFE];
	[sflag:s23] =	ssyncadd.s32 $0xFFFFFFFF  }
0xa7: {  	s26 =	simm.s32 $execute0_lowered;
	[smem:$0x3FD2] =	sst s25  }
0xa8: {  	s7 =	sshll.u32 s26, $0x1;
	_ =	strace $0x80000046;
	[dreg:$0x1] =	wrdreg $0xFFFFFFFF  }
0xa9: {  	s28 =	simm.s32 $_size_execute0_lowered;
	s5 =	sadd.s32 s5, s7;
	[dreg:$0x0] =	wrdreg $0x0  }
0xaa: {  	s7 =	sshll.u32 s28, $0x1;
	[dreg:$0x2] =	wrdreg s5  }
0xab: {  	[dreg:$0x3] =	wrdreg s7  }
0xac: {  	[dreg:$0x4] =	wrdreg $0xC0  }
0xad: {  	_ =	task [dreg:s9], $0x5FFFF  }
0xae: {  	[dreg:$0x1] =	wrdreg $0xFFFFFFFF  }
0xaf: {  	[dreg:$0x0] =	wrdreg $0x60  }
0xb0: {  	[dreg:$0x2] =	wrdreg s24  }
0xb1: {  	[dreg:$0x3] =	wrdreg s18  }
0xb2: {  	[dreg:$0x4] =	wrdreg s2  }
0xb3: {  	[dreg:$0x5] =	wrdreg s4  }
0xb4: {  	[dreg:$0x6] =	wrdreg $0x9  }
0xb5: {  	_ =	task.clear_ibuf [dreg:s9], $0x7FFFF;
	_ =	strace $0x90000046  }
0xb6: {  	s29 =	simm.s32 $0x9;
	_ =	strace $0x80000048  }
0xb7: {  	_ =	swait.ge [sflag:s29], $0x1  }
0xb8: {  	[sflag:s29] =	ssyncadd.s32 $0xFFFFFFFF  }
0xb9: {  	_ =	strace $0x90000048  }
0xba: {  	_ =	sfence  }
0xbb: {  	s30 =	sld [smem:$0x0];
	_ =	sdelay $0x2  }
0xbc: {  	s31 =	sshll.u32 s1, $0xD;
	s1 =	sshrl.u32 s1, $0x2  }
0xbd: {  	s3 =	sand.u32 $0x4000, s31;
	s1 =	sadd.s32 s1, s30  }
0xbe: {  	s0 =	sor.u32 s3, s0;
	s1 =	sshll.u32 s1, $0x11  }
0xbf: {  	s0 =	sor.u32 s1, s0  }
0xc0: {  	s0 =	sadd.s32 $0x8F2B, s0  }
0xc1: {  	[sflag:s0] =	ssyncadd.remote.s32 $0x1  }
0xc2: {  	_ =	sfence.sel $0xFFFF  }
0xc3: {  	[dreg:$0x0] =	wrdreg $0xFFFFFFFF;
	(pc) =	sbr.abs _section_cstart, $3  }
0xc4: {  	[dreg:$0x1] =	wrdreg $0xFFFFFFFF  }
0xc5: {  	_ =	task.clear_ibuf [dreg:s9], $0x2FFFF;
	_ =	strace $0x9FFFFFFF  }
0xc6: {  	(tm) =	ssettm $0x7FFFFFFF  }
0xc7: {  	_ =	shalt  }
tec
execute0_lowered:
.L_overlay_start_1:
0x0: {  	(tag) =	ssettag $0x1  }
0x1: {  	s4 =	rddreg [dreg:$0x0]  }
0x2: {  	s1 =	rddreg [dreg:$0x1]  }
0x3: {  	s5 =	rddreg [dreg:$0x2]  }
0x4: {  	s6 =	rddreg [dreg:$0x3]  }
0x5: {  	s0 =	rddreg [dreg:$0x4];
	s7 =	srdreg.scid  }
0x6: {  	s3 =	simm.s32 $0x0;
	s2 =	stileid.u32;
	s11 =	simm.s32 $0x2  }
0x7: {  	s12 =	simm.s32 $0x0;
	s7 =	sand.u32 $0x1, s7;
	[smem:$0x7FF] =	sst s3  }
0x8: {  	s8 =	sshll.u32 s2, $0xA;
	s4 =	sadd.s32 $0x800, s4;
	s9 =	sshll.u32 s7, $0x9  }
0x9: {  	_ =	strace $0x80000047;
	s7 =	ssub.s32 $0x2, s7;
	s10 =	sor.u32 s9, s8  }
0xa: {  	s31 =	sshrl.u32 s7, $0x1;
	s8 =	simm.s32 $0x4000;
	s9 =	sshrl.u32 s10, $0x3  }
0xb: {  	v2 =	vlaneseq.u32;
	s7 =	ssub.s32 s7, s31;
	v0 =	vmov s10;
	s10 =	simm.s32 $0x1;
	s5 =	sadd.s32 s5, s9  }
0xc: {  	v1 =	vmul.u32 $0x200, v2;
	v2 =	vmul.u32 $0x20, v2;
	s6 =	sadd.s32 s6, s9;
	s7 =	smax.u32 s7, $0x1;
	s9 =	simm.s32 $0x2000  }
.LBB2_1:
0xd: {  	[tilespmem:s8], [sflag:$0x1] =	stream.linear.gather [hbm4b:s5+s3], $0x200, $0x38;
	[tilespmem:$0x4200] =	vst v63  }
0xe: {  	_ = 	snop  }
0xf: {  	[tilespmem:s3], [sflag:$0x1] =	stream.linear.gather [hbm4b:s1+s3], $0x2000, $0x38;
	[tilespmem:$0x4200] =	vst v63  }
0x10: {  	_ = 	snop  }
0x11: {  	[tilespmem:s9], [sflag:$0x1] =	stream.linear.gather [hbm4b:s4+s3], $0x2000, $0x38;
	[tilespmem:$0x4200] =	vst v63  }
0x12: {  	_ =	swait.ge [sflag:s10], $0x2000  }
0x13: {  	[sflag:s10] =	ssyncset.done $0x0  }
0x14: {  	[sflag:s10] =	ssyncadd.s32 $0xFFFFE000  }
0x15: {  	v3 =	vld.idx.msk [tilespmem:v1+s3+$0x0], $0xffff;
	_ =	sdelay $0x4  }
0x16: {  	vm0 =	vlt.s32 v3, v0  }
0x17: {  	v3 =	vmpcnt.ones.xlane vm0;
	_ =	sdelay $0x1  }
0x18: {  	v3 =	vadd.s32 $0xFFFFFFFF, v3  }
0x19: {  	vm13 =	vgt.s32 v3, $0x0  }
0x1a: {  	v3 =	vnsel vm13, $0x0, v3  }
0x1b: {  	v3 =	vshll.u32 v3, $0x9  }
0x1c: {  	v4 =	vor.u32 v2, v3;
	_ =	sdelay $0x4  }
0x1d: {  	v4 =	vld.idx.msk [tilespmem:v4+s3+$0x0], $0xffff;
	_ =	sdelay $0x4  }
0x1e: {  	vm14 =	vlt.s32 v4, v0  }
0x1f: {  	v4 =	vmpcnt.ones.xlane vm14;
	_ =	sdelay $0x1  }
0x20: {  	v4 =	vadd.s32 $0xFFFFFFFF, v4  }
0x21: {  	vm15 =	vgt.s32 v4, $0x0  }
0x22: {  	v4 =	vnsel vm15, $0x0, v4  }
0x23: {  	v4 =	vshll.u32 v4, $0x5  }
0x24: {  	v3 =	vadd.s32 v3, v4  }
0x25: {  	v3 =	vxor.u32 $0x80000000, v3  }
0x26: {  	(xrf0) =	vmax.scan.msk.u32 $0xffff, v3;
	_ =	sdelay $0x5  }
0x27: {  	v3, _, _ =	vpop (xrf0)  }
0x28: {  	(v2sf) =	vpush v3, $0xF;
	_ =	sdelay $0xe  }
0x29: {  	s13 =	spop (v2sf)  }
0x2a: {  	s13 =	sxor.u32 $0x80000000, s13  }
0x2b: {  	s14 =	sshra.s32 s13, $0x1F  }
0x2c: {  	s14 =	sshrl.u32 s14, $0x1C  }
0x2d: {  	s13 =	sadd.s32 s14, s13  }
0x2e: {  	s13 =	sand.u32 $0xFFFFFFF0, s13  }
0x2f: {  	p0 =	slt.s32 s13, $0x1DC0  }
0x30: {  	s13 =	simm.s32 @!p0 $0x1DC0  }
0x31: {  	s13 =	sshll.u32 s13, $0x2  }
0x32: {  	_ =	swait.ge [sflag:s10], $0x200;
	s13 =	sshra.s32 s13, $0x2  }
0x33: {  	[sflag:s10] =	ssyncset.done $0x0;
	s31 =	sadd.s32 $0x30, s13  }
0x34: {  	[sflag:s10] =	ssyncadd.s32 $0xFFFFFE00;
	v3 =	vmov s31  }
0x35: {  	_ =	swait.ge [sflag:s10], $0x2000  }
0x36: {  	[sflag:s10] =	ssyncset.done $0x0;
	s13 =	sadd.s32 $0x2020, s13  }
0x37: {  	[sflag:s10] =	ssyncadd.s32 $0xFFFFE000;
	v4 =	vmov s13;
	s13 =	simm.s32 $0x0  }
.LBB2_2:
0x38: {  	s14 =	sshra.s32 s13, $0x2  }
0x39: {  	v5 =	vld.idx.msk [tilespmem:v3+s14+$0xFFFFFFD0 ss:$0x1], $0xffff;
	_ =	sdelay $0x4  }
0x3a: {  	v6 =	vsub.s32 v5, v0  }
0x3b: {  	v5 =	vand.u32 $0x7F, v5;
	vm0 =	vlt.u32 v6, $0x200;
	v6 =	vand.u32 $0xFFFFFF80, v6  }
0x3c: {  	v7 =	vld.idx.msk [tilespmem:v4+s14+$0xFFFFFFE0 ss:$0x1], $0xffff;
	v5 =	vor.u32 v5, v6;
	_ =	sdelay $0x4  }
0x3d: {  	[tilespmem:v5+s8+$0x0] =	vst.idx.add.f32.msk vm0, v7  }
0x3e: {  	v5 =	vld.idx.msk [tilespmem:v3+s14+$0xFFFFFFE0 ss:$0x1], $0xffff;
	_ =	sdelay $0x4  }
0x3f: {  	v6 =	vsub.s32 v5, v0  }
0x40: {  	v5 =	vand.u32 $0x7F, v5;
	vm13 =	vlt.u32 v6, $0x200;
	v6 =	vand.u32 $0xFFFFFF80, v6  }
0x41: {  	v7 =	vld.idx.msk [tilespmem:v4+s14+$0xFFFFFFF0 ss:$0x1], $0xffff;
	v5 =	vor.u32 v5, v6;
	_ =	sdelay $0x4  }
0x42: {  	[tilespmem:v5+s8+$0x0] =	vst.idx.add.f32.msk vm13, v7  }
0x43: {  	v5 =	vld.idx.msk [tilespmem:v3+s14+$0xFFFFFFF0 ss:$0x1], $0xffff;
	_ =	sdelay $0x4  }
0x44: {  	v6 =	vsub.s32 v5, v0  }
0x45: {  	v5 =	vand.u32 $0x7F, v5;
	vm14 =	vlt.u32 v6, $0x200;
	v6 =	vand.u32 $0xFFFFFF80, v6  }
0x46: {  	v7 =	vld.idx.msk [tilespmem:v4+s14+$0x0 ss:$0x1], $0xffff;
	v5 =	vor.u32 v5, v6;
	_ =	sdelay $0x4  }
0x47: {  	[tilespmem:v5+s8+$0x0] =	vst.idx.add.f32.msk vm14, v7  }
0x48: {  	v5 =	vld.idx.msk [tilespmem:v3+s14+$0x0 ss:$0x1], $0xffff;
	_ =	sdelay $0x4  }
0x49: {  	v6 =	vsub.s32 v5, v0  }
0x4a: {  	v5 =	vand.u32 $0x7F, v5;
	vm15 =	vlt.u32 v6, $0x200;
	v6 =	vand.u32 $0xFFFFFF80, v6  }
0x4b: {  	p0 =	sne.s32 s13, $0x800;
	v7 =	vld.idx.msk [tilespmem:v4+s14+$0x10 ss:$0x1], $0xffff;
	v5 =	vor.u32 v5, v6  }
.Ltmp0:
0x4c: {  	_ = 	snop;
	(pc) =	sbr.rel @p0 .LBB2_2-.Ltmp0, $2  }
0x4d: {  	_ =	sdelay $0x2  }
0x4e: {  	s13 =	sadd.s32 $0x100, s13;
	[tilespmem:v5+s8+$0x0] =	vst.idx.add.f32.msk vm15, v7  }
0x4f: {  	s12 =	sadd.s32 $0x1, s12  }
0x50: {  	p0 =	sne.s32 s12, s7  }
.Ltmp1:
0x51: {  	_ = 	snop;
	(pc) =	sbr.rel @p0 .LBB2_1-.Ltmp1, $4  }
0x52: {  	[hbm4b:s6+s3] =	stream.linear.scatter [tilespmem:s8], [sflag:$0x2], $0x200, $0x38;
	[tilespmem:$0x4200] =	vst v63  }
0x53: {  	_ =	swait.ge [sflag:s11], $0x200  }
0x54: {  	[sflag:s11] =	ssyncset.done $0x0  }
0x55: {  	[sflag:s11] =	ssyncadd.s32 $0xFFFFFE00  }
0x56: {  	_ =	sfence.sel $0x180000  }
0x57: {  	[bflag:$0x0] =	sbarrier.arrive $0xFFFF  }
0x58: {  	p0 =	sne.s32 s2, $0x0;
	_ =	strace $0x90000047  }
0x59: {  	s0 =	sadd.s32 @!p0 $0x100000, s0;
	[bflag:$0x2] =	sbarrier.arrive $0xFFFF  }
0x5a: {  	[sflag:s0] =	ssyncadd.tile.s32 @!p0 $0x1;
	_ =	shalt  }
.Lfunc_end2:
_tile_overlayer_lowered:
.L_overlay_start_2:
0x5b: {  	(tag) =	ssettag $0x2  }
0x5c: {  	s0 =	rddreg [dreg:$0x0];
	s2 =	stileid.u32  }
0x5d: {  	s1 =	rddreg [dreg:$0x1];
	p0 =	sne.s32 s2, $0x0  }
0x5e: {  	s3 =	rddreg [dreg:$0x2];
	[bflag:$0x3] =	sbarrier.arrive $0xFFFF;
	s2 =	simm.s32 @!p0 $0x1C02  }
0x5f: {  	[timem:s3], [sflag:s2] =	dma.local @!p0 [hbm:s0], s1  }
0x60: {  	s0 =	simm.s32 @!p0 $0x2  }
0x61: {  	_ =	swait.ge @!p0 [sflag:s0], s1  }
0x62: {  	s1 =	ssub.s32 @!p0 $0x0, s1;
	[sflag:s0] =	ssyncset.done @!p0 $0x0  }
0x63: {  	[sflag:s0] =	ssyncadd.s32 @!p0 s1  }
0x64: {  	[bflag:$0x3] =	sbarrier.arrive $0xFFFF  }
0x65: {  	_ =	shalt  }

</sc_bundles>
